<compile_context>
chip_gen: v7x
topology: tpu7x:2x2x1
jax: 0.10.2.dev20260603
libtpu: 0.0.44.dev20260713+nightly
codegen_flags: <defaults>
</compile_context>

<pallas_src>
import functools

import jax
import jax.numpy as jnp
from jax import lax
from jax.experimental import pallas as pl
from jax.experimental.pallas import tpu as pltpu, tpu_sc as plsc

_ROWS = 16384
_COLS = 50
_CLASSES = 256
_TOTAL = _ROWS * _COLS
_N = _TOTAL * _CLASSES
_R2 = 6400
_C2 = 128
_BR = 32

_NC = 2
_NS = 16
_L = 16
_NW = _NC * _NS
_PER_W = _TOTAL // _NW
_IB = 128
_NI = _PER_W // _IB
_W = 32


def _zero_body(o_ref):
    o_ref[...] = jnp.zeros((_BR, _C2, _CLASSES), jnp.float32)


def _scatter_body(x_hbm, out_hbm, idx_v, offs_v, ones_v, sem):
    wid = lax.axis_index("s") * _NC + lax.axis_index("c")
    base = wid * _PER_W
    pltpu.sync_copy(x_hbm.at[pl.ds(base, _PER_W)], idx_v)

    lane = lax.iota(jnp.int32, _L)
    for c in range(_IB // _L):
        ones_v[pl.ds(c * _L, _L)] = jnp.ones((_L,), jnp.float32)

    def _fill(j, _):
        for c in range(_IB // _L):
            s = j * _IB + c * _L
            cols = idx_v[pl.ds(s, _L)]
            offs_v[j, pl.ds(c * _L, _L)] = (base + s + lane) * _CLASSES + cols
        return 0

    lax.fori_loop(0, _NI, _fill, 0)

    def _wait_one():
        pltpu.make_async_copy(ones_v, out_hbm.at[offs_v.at[0]], sem).wait()

    def _fire(j, _):
        pltpu.async_copy(ones_v, out_hbm.at[offs_v.at[j]], sem)

        @pl.when(j >= _W)
        def _():
            _wait_one()

        return 0

    lax.fori_loop(0, _NI, _fire, 0)

    def _drain(j, _):
        _wait_one()
        return 0

    lax.fori_loop(0, _W, _drain, 0)


@functools.cache
def _make_sc_scatter():
    return pl.kernel(
        _scatter_body,
        out_type=(),
        mesh=plsc.VectorSubcoreMesh(
            core_axis_name="c", subcore_axis_name="s",
            num_cores=_NC, num_subcores=_NS,
        ),
        scratch_types=[
            pltpu.VMEM((_PER_W,), jnp.int32),
            pltpu.VMEM((_NI, _IB), jnp.int32),
            pltpu.VMEM((_IB,), jnp.float32),
            pltpu.SemaphoreType.DMA,
        ],
    )


@jax.jit
def _onehot(x):
    zeros3 = pl.pallas_call(
        _zero_body,
        grid=(_R2 // _BR,),
        out_specs=pl.BlockSpec((_BR, _C2, _CLASSES), lambda i: (i, 0, 0)),
        out_shape=jax.ShapeDtypeStruct((_R2, _C2, _CLASSES), jnp.float32),
    )()
    r = jax.new_ref(zeros3.reshape(_N))
    _make_sc_scatter()(x.reshape(_TOTAL).astype(jnp.int32), r)
    return jax.freeze(r)


def kernel(x):
    return _onehot(x).reshape(_ROWS, _COLS, _CLASSES)

# --- scband reference (transcript-rebuilt; emitter-appended) ---
"""Pipeline reference for scband-to-one-hot-66563403153611 (READ-ONLY COPY).

The authoritative reference and input builder live on the scoring server;
editing this copy changes nothing except your own understanding.
"""

import jax, jax.numpy as jnp
import numpy as np

def setup_inputs(seed: int = 0) -> dict:
    key = jax.random.key(seed)
    x = jax.random.randint(key, (16384, 50), 0, 256, dtype=jnp.int64)
    return {"x": x}

def reference(x) -> jnp.ndarray:
    # Faithful translation of torch: nn.functional.one_hot(x, num_classes=256).to(torch.float)
    return jax.nn.one_hot(x, 256, dtype=jnp.float32)

if __name__ == "__main__":
    import jax
    _d = setup_inputs()
    print(jax.jit(kernel)(*tuple(_d.values())))

</pallas_src>

<mosaic_0001>
#map = affine_map<(d0, d1) -> (0)>
module attributes {stable_mosaic.version = 14 : i64} {
  func.func @new_body(%arg0: i32, %arg1: i32, %arg2: memref<819200xi32, #tpu.memory_space<hbm>>, %arg3: memref<209715200xf32, #tpu.memory_space<hbm>>, %arg4: memref<209715200xf32, #tpu.memory_space<hbm>>, %arg5: memref<25600xi32, #tpu.memory_space<vmem>>, %arg6: memref<200x128xi32, #tpu.memory_space<vmem>>, %arg7: memref<128xf32, #tpu.memory_space<vmem>>, %arg8: memref<!tpu.dma_semaphore, #tpu.memory_space<semaphore_mem>>) attributes {dimension_semantics = [#tpu.dimension_semantics<core_parallel>, #tpu.dimension_semantics<subcore_parallel>], iteration_bounds = array<i64: 2, 16>, scalar_prefetch = 0 : i64, scratch_operands = 4 : i64, tpu.core_type = #tpu.core_type<sc_vector_subcore>, window_params = [{transform_indices = #map}, {transform_indices = #map}, {transform_indices = #map}]} {
    %mul3A = arith.constant 2 : i32
    %mul3A_0 = arith.muli %arg1, %mul3A : i32
    %add3A = arith.addi %mul3A_0, %arg0 : i32
    %mul3A_1 = arith.constant 25600 : i32
    %mul3A_2 = arith.muli %add3A, %mul3A_1 : i32
    "tpu.region"() ({
      %run_scoped3A = tpu.sem_alloc : memref<!tpu.dma_semaphore, #tpu.memory_space<semaphore_mem>>
      %dma_start3A = tpu.memref_slice %arg2[%mul3A_2] : memref<819200xi32, #tpu.memory_space<hbm>> -> memref<25600xi32, #tpu.memory_space<hbm>>
      %dma_start3A_69 = tpu.memref_slice %arg2[%mul3A_2] : memref<819200xi32, #tpu.memory_space<hbm>> -> memref<25600xi32, #tpu.memory_space<hbm>>
      tpu.enqueue_dma source(%dma_start3A_69 : memref<25600xi32, #tpu.memory_space<hbm>>) target(%arg5 : memref<25600xi32, #tpu.memory_space<vmem>>) target_semaphore(%run_scoped3A : memref<!tpu.dma_semaphore, #tpu.memory_space<semaphore_mem>>)
      %dma_wait3A = tpu.memref_slice %arg2[%mul3A_2] : memref<819200xi32, #tpu.memory_space<hbm>> -> memref<25600xi32, #tpu.memory_space<hbm>>
      %dma_wait3A_70 = tpu.memref_slice %arg2[%mul3A_2] : memref<819200xi32, #tpu.memory_space<hbm>> -> memref<25600xi32, #tpu.memory_space<hbm>>
      tpu.wait_dma2 semaphore(%run_scoped3A : memref<!tpu.dma_semaphore, #tpu.memory_space<semaphore_mem>>) src(%dma_wait3A_70 : memref<25600xi32, #tpu.memory_space<hbm>>) dst(%arg5 : memref<25600xi32, #tpu.memory_space<vmem>>)
      tpu.yield
    }) : () -> ()
    %iota3A = tpu.iota {dimensions = array<i32: 0>} : vector<16xi32>
    %broadcast_in_dim3A = arith.constant 1.000000e+00 : f32
    %broadcast_in_dim3A_3 = vector.broadcast %broadcast_in_dim3A : f32 to vector<16xf32>
    %swap3A = arith.constant 0 : index
    %swap3A_4 = tpu.vector_load %arg7[%swap3A] {strides = array<i32>} : memref<128xf32, #tpu.memory_space<vmem>>, vector<16xf32>,
    %swap3A_5 = vector.shape_cast %swap3A_4 : vector<16xf32> to vector<16xf32>
    %swap3A_6 = vector.shape_cast %broadcast_in_dim3A_3 : vector<16xf32> to vector<16xf32>
    tpu.vector_store %arg7[%swap3A], %swap3A_6 {strides = array<i32>} : memref<128xf32, #tpu.memory_space<vmem>>, vector<16xf32>,
    %broadcast_in_dim3A_7 = arith.constant 1.000000e+00 : f32
    %broadcast_in_dim3A_8 = vector.broadcast %broadcast_in_dim3A_7 : f32 to vector<16xf32>
    %swap3A_9 = arith.constant 16 : index
    %swap3A_10 = tpu.vector_load %arg7[%swap3A_9] {strides = array<i32>} : memref<128xf32, #tpu.memory_space<vmem>>, vector<16xf32>,
    %swap3A_11 = vector.shape_cast %swap3A_10 : vector<16xf32> to vector<16xf32>
    %swap3A_12 = vector.shape_cast %broadcast_in_dim3A_8 : vector<16xf32> to vector<16xf32>
    tpu.vector_store %arg7[%swap3A_9], %swap3A_12 {strides = array<i32>} : memref<128xf32, #tpu.memory_space<vmem>>, vector<16xf32>,
    %broadcast_in_dim3A_13 = arith.constant 1.000000e+00 : f32
    %broadcast_in_dim3A_14 = vector.broadcast %broadcast_in_dim3A_13 : f32 to vector<16xf32>
    %swap3A_15 = arith.constant 32 : index
    %swap3A_16 = tpu.vector_load %arg7[%swap3A_15] {strides = array<i32>} : memref<128xf32, #tpu.memory_space<vmem>>, vector<16xf32>,
    %swap3A_17 = vector.shape_cast %swap3A_16 : vector<16xf32> to vector<16xf32>
    %swap3A_18 = vector.shape_cast %broadcast_in_dim3A_14 : vector<16xf32> to vector<16xf32>
    tpu.vector_store %arg7[%swap3A_15], %swap3A_18 {strides = array<i32>} : memref<128xf32, #tpu.memory_space<vmem>>, vector<16xf32>,
    %broadcast_in_dim3A_19 = arith.constant 1.000000e+00 : f32
    %broadcast_in_dim3A_20 = vector.broadcast %broadcast_in_dim3A_19 : f32 to vector<16xf32>
    %swap3A_21 = arith.constant 48 : index
    %swap3A_22 = tpu.vector_load %arg7[%swap3A_21] {strides = array<i32>} : memref<128xf32, #tpu.memory_space<vmem>>, vector<16xf32>,
    %swap3A_23 = vector.shape_cast %swap3A_22 : vector<16xf32> to vector<16xf32>
    %swap3A_24 = vector.shape_cast %broadcast_in_dim3A_20 : vector<16xf32> to vector<16xf32>
    tpu.vector_store %arg7[%swap3A_21], %swap3A_24 {strides = array<i32>} : memref<128xf32, #tpu.memory_space<vmem>>, vector<16xf32>,
    %broadcast_in_dim3A_25 = arith.constant 1.000000e+00 : f32
    %broadcast_in_dim3A_26 = vector.broadcast %broadcast_in_dim3A_25 : f32 to vector<16xf32>
    %swap3A_27 = arith.constant 64 : index
    %swap3A_28 = tpu.vector_load %arg7[%swap3A_27] {strides = array<i32>} : memref<128xf32, #tpu.memory_space<vmem>>, vector<16xf32>,
    %swap3A_29 = vector.shape_cast %swap3A_28 : vector<16xf32> to vector<16xf32>
    %swap3A_30 = vector.shape_cast %broadcast_in_dim3A_26 : vector<16xf32> to vector<16xf32>
    tpu.vector_store %arg7[%swap3A_27], %swap3A_30 {strides = array<i32>} : memref<128xf32, #tpu.memory_space<vmem>>, vector<16xf32>,
    %broadcast_in_dim3A_31 = arith.constant 1.000000e+00 : f32
    %broadcast_in_dim3A_32 = vector.broadcast %broadcast_in_dim3A_31 : f32 to vector<16xf32>
    %swap3A_33 = arith.constant 80 : index
    %swap3A_34 = tpu.vector_load %arg7[%swap3A_33] {strides = array<i32>} : memref<128xf32, #tpu.memory_space<vmem>>, vector<16xf32>,
    %swap3A_35 = vector.shape_cast %swap3A_34 : vector<16xf32> to vector<16xf32>
    %swap3A_36 = vector.shape_cast %broadcast_in_dim3A_32 : vector<16xf32> to vector<16xf32>
    tpu.vector_store %arg7[%swap3A_33], %swap3A_36 {strides = array<i32>} : memref<128xf32, #tpu.memory_space<vmem>>, vector<16xf32>,
    %broadcast_in_dim3A_37 = arith.constant 1.000000e+00 : f32
    %broadcast_in_dim3A_38 = vector.broadcast %broadcast_in_dim3A_37 : f32 to vector<16xf32>
    %swap3A_39 = arith.constant 96 : index
    %swap3A_40 = tpu.vector_load %arg7[%swap3A_39] {strides = array<i32>} : memref<128xf32, #tpu.memory_space<vmem>>, vector<16xf32>,
    %swap3A_41 = vector.shape_cast %swap3A_40 : vector<16xf32> to vector<16xf32>
    %swap3A_42 = vector.shape_cast %broadcast_in_dim3A_38 : vector<16xf32> to vector<16xf32>
    tpu.vector_store %arg7[%swap3A_39], %swap3A_42 {strides = array<i32>} : memref<128xf32, #tpu.memory_space<vmem>>, vector<16xf32>,
    %broadcast_in_dim3A_43 = arith.constant 1.000000e+00 : f32
    %broadcast_in_dim3A_44 = vector.broadcast %broadcast_in_dim3A_43 : f32 to vector<16xf32>
    %swap3A_45 = arith.constant 112 : index
    %swap3A_46 = tpu.vector_load %arg7[%swap3A_45] {strides = array<i32>} : memref<128xf32, #tpu.memory_space<vmem>>, vector<16xf32>,
    %swap3A_47 = vector.shape_cast %swap3A_46 : vector<16xf32> to vector<16xf32>
    %swap3A_48 = vector.shape_cast %broadcast_in_dim3A_44 : vector<16xf32> to vector<16xf32>
    tpu.vector_store %arg7[%swap3A_45], %swap3A_48 {strides = array<i32>} : memref<128xf32, #tpu.memory_space<vmem>>, vector<16xf32>,
    %scan3A = arith.constant 0 : i32
    %scan3A_49 = arith.constant 0 : i32
    %scan3A_50 = arith.constant 200 : i32
    %scan3A_51 = arith.addi %scan3A_49, %scan3A_50 : i32
    %scan3A_52 = arith.constant 1 : i32
    %scan3A_53 = scf.for %scan3A_69 = %scan3A_49 to %scan3A_51 step %scan3A_52 iter_args(%scan3A_70 = %scan3A) -> (i32)  : i32 {
      %mul3A_71 = arith.constant 128 : i32
      %mul3A_72 = arith.muli %scan3A_69, %mul3A_71 : i32
      %add3A_73 = arith.constant 0 : i32
      %add3A_74 = arith.addi %mul3A_72, %add3A_73 : i32
      %get3A = arith.index_cast %add3A_74 : i32 to index
      %get3A_75 = tpu.vector_load %arg5[%get3A] {strides = array<i32>} : memref<25600xi32, #tpu.memory_space<vmem>>, vector<16xi32>,
      %get3A_76 = vector.shape_cast %get3A_75 : vector<16xi32> to vector<16xi32>
      %add3A_77 = arith.addi %mul3A_2, %add3A_74 : i32
      %add3A_78 = vector.broadcast %add3A_77 : i32 to vector<16xi32>
      %add3A_79 = arith.addi %add3A_78, %iota3A : vector<16xi32>
      %mul3A_80 = arith.constant 256 : i32
      %mul3A_81 = vector.broadcast %mul3A_80 : i32 to vector<16xi32>
      %mul3A_82 = arith.muli %add3A_79, %mul3A_81 : vector<16xi32>
      %add3A_83 = arith.addi %mul3A_82, %get3A_76 : vector<16xi32>
      %swap3A_84 = arith.index_cast %scan3A_69 : i32 to index
      %swap3A_85 = arith.constant 0 : index
      %swap3A_86 = tpu.vector_load %arg6[%swap3A_84, %swap3A_85] {strides = array<i32>} : memref<200x128xi32, #tpu.memory_space<vmem>>, vector<1x16xi32>,
      %swap3A_87 = vector.shape_cast %swap3A_86 : vector<1x16xi32> to vector<16xi32>
      %swap3A_88 = vector.shape_cast %add3A_83 : vector<16xi32> to vector<1x16xi32>
      tpu.vector_store %arg6[%swap3A_84, %swap3A_85], %swap3A_88 {strides = array<i32>} : memref<200x128xi32, #tpu.memory_space<vmem>>, vector<1x16xi32>,
      %mul3A_89 = arith.constant 128 : i32
      %mul3A_90 = arith.muli %scan3A_69, %mul3A_89 : i32
      %add3A_91 = arith.constant 16 : i32
      %add3A_92 = arith.addi %mul3A_90, %add3A_91 : i32
      %get3A_93 = arith.index_cast %add3A_92 : i32 to index
      %get3A_94 = tpu.vector_load %arg5[%get3A_93] {strides = array<i32>} : memref<25600xi32, #tpu.memory_space<vmem>>, vector<16xi32>,
      %get3A_95 = vector.shape_cast %get3A_94 : vector<16xi32> to vector<16xi32>
      %add3A_96 = arith.addi %mul3A_2, %add3A_92 : i32
      %add3A_97 = vector.broadcast %add3A_96 : i32 to vector<16xi32>
      %add3A_98 = arith.addi %add3A_97, %iota3A : vector<16xi32>
      %mul3A_99 = arith.constant 256 : i32
      %mul3A_100 = vector.broadcast %mul3A_99 : i32 to vector<16xi32>
      %mul3A_101 = arith.muli %add3A_98, %mul3A_100 : vector<16xi32>
      %add3A_102 = arith.addi %mul3A_101, %get3A_95 : vector<16xi32>
      %swap3A_103 = arith.index_cast %scan3A_69 : i32 to index
      %swap3A_104 = arith.constant 16 : index
      %swap3A_105 = tpu.vector_load %arg6[%swap3A_103, %swap3A_104] {strides = array<i32>} : memref<200x128xi32, #tpu.memory_space<vmem>>, vector<1x16xi32>,
      %swap3A_106 = vector.shape_cast %swap3A_105 : vector<1x16xi32> to vector<16xi32>
      %swap3A_107 = vector.shape_cast %add3A_102 : vector<16xi32> to vector<1x16xi32>
      tpu.vector_store %arg6[%swap3A_103, %swap3A_104], %swap3A_107 {strides = array<i32>} : memref<200x128xi32, #tpu.memory_space<vmem>>, vector<1x16xi32>,
      %mul3A_108 = arith.constant 128 : i32
      %mul3A_109 = arith.muli %scan3A_69, %mul3A_108 : i32
      %add3A_110 = arith.constant 32 : i32
      %add3A_111 = arith.addi %mul3A_109, %add3A_110 : i32
      %get3A_112 = arith.index_cast %add3A_111 : i32 to index
      %get3A_113 = tpu.vector_load %arg5[%get3A_112] {strides = array<i32>} : memref<25600xi32, #tpu.memory_space<vmem>>, vector<16xi32>,
      %get3A_114 = vector.shape_cast %get3A_113 : vector<16xi32> to vector<16xi32>
      %add3A_115 = arith.addi %mul3A_2, %add3A_111 : i32
      %add3A_116 = vector.broadcast %add3A_115 : i32 to vector<16xi32>
      %add3A_117 = arith.addi %add3A_116, %iota3A : vector<16xi32>
      %mul3A_118 = arith.constant 256 : i32
      %mul3A_119 = vector.broadcast %mul3A_118 : i32 to vector<16xi32>
      %mul3A_120 = arith.muli %add3A_117, %mul3A_119 : vector<16xi32>
      %add3A_121 = arith.addi %mul3A_120, %get3A_114 : vector<16xi32>
      %swap3A_122 = arith.index_cast %scan3A_69 : i32 to index
      %swap3A_123 = arith.constant 32 : index
      %swap3A_124 = tpu.vector_load %arg6[%swap3A_122, %swap3A_123] {strides = array<i32>} : memref<200x128xi32, #tpu.memory_space<vmem>>, vector<1x16xi32>,
      %swap3A_125 = vector.shape_cast %swap3A_124 : vector<1x16xi32> to vector<16xi32>
      %swap3A_126 = vector.shape_cast %add3A_121 : vector<16xi32> to vector<1x16xi32>
      tpu.vector_store %arg6[%swap3A_122, %swap3A_123], %swap3A_126 {strides = array<i32>} : memref<200x128xi32, #tpu.memory_space<vmem>>, vector<1x16xi32>,
      %mul3A_127 = arith.constant 128 : i32
      %mul3A_128 = arith.muli %scan3A_69, %mul3A_127 : i32
      %add3A_129 = arith.constant 48 : i32
      %add3A_130 = arith.addi %mul3A_128, %add3A_129 : i32
      %get3A_131 = arith.index_cast %add3A_130 : i32 to index
      %get3A_132 = tpu.vector_load %arg5[%get3A_131] {strides = array<i32>} : memref<25600xi32, #tpu.memory_space<vmem>>, vector<16xi32>,
      %get3A_133 = vector.shape_cast %get3A_132 : vector<16xi32> to vector<16xi32>
      %add3A_134 = arith.addi %mul3A_2, %add3A_130 : i32
      %add3A_135 = vector.broadcast %add3A_134 : i32 to vector<16xi32>
      %add3A_136 = arith.addi %add3A_135, %iota3A : vector<16xi32>
      %mul3A_137 = arith.constant 256 : i32
      %mul3A_138 = vector.broadcast %mul3A_137 : i32 to vector<16xi32>
      %mul3A_139 = arith.muli %add3A_136, %mul3A_138 : vector<16xi32>
      %add3A_140 = arith.addi %mul3A_139, %get3A_133 : vector<16xi32>
      %swap3A_141 = arith.index_cast %scan3A_69 : i32 to index
      %swap3A_142 = arith.constant 48 : index
      %swap3A_143 = tpu.vector_load %arg6[%swap3A_141, %swap3A_142] {strides = array<i32>} : memref<200x128xi32, #tpu.memory_space<vmem>>, vector<1x16xi32>,
      %swap3A_144 = vector.shape_cast %swap3A_143 : vector<1x16xi32> to vector<16xi32>
      %swap3A_145 = vector.shape_cast %add3A_140 : vector<16xi32> to vector<1x16xi32>
      tpu.vector_store %arg6[%swap3A_141, %swap3A_142], %swap3A_145 {strides = array<i32>} : memref<200x128xi32, #tpu.memory_space<vmem>>, vector<1x16xi32>,
      %mul3A_146 = arith.constant 128 : i32
      %mul3A_147 = arith.muli %scan3A_69, %mul3A_146 : i32
      %add3A_148 = arith.constant 64 : i32
      %add3A_149 = arith.addi %mul3A_147, %add3A_148 : i32
      %get3A_150 = arith.index_cast %add3A_149 : i32 to index
      %get3A_151 = tpu.vector_load %arg5[%get3A_150] {strides = array<i32>} : memref<25600xi32, #tpu.memory_space<vmem>>, vector<16xi32>,
      %get3A_152 = vector.shape_cast %get3A_151 : vector<16xi32> to vector<16xi32>
      %add3A_153 = arith.addi %mul3A_2, %add3A_149 : i32
      %add3A_154 = vector.broadcast %add3A_153 : i32 to vector<16xi32>
      %add3A_155 = arith.addi %add3A_154, %iota3A : vector<16xi32>
      %mul3A_156 = arith.constant 256 : i32
      %mul3A_157 = vector.broadcast %mul3A_156 : i32 to vector<16xi32>
      %mul3A_158 = arith.muli %add3A_155, %mul3A_157 : vector<16xi32>
      %add3A_159 = arith.addi %mul3A_158, %get3A_152 : vector<16xi32>
      %swap3A_160 = arith.index_cast %scan3A_69 : i32 to index
      %swap3A_161 = arith.constant 64 : index
      %swap3A_162 = tpu.vector_load %arg6[%swap3A_160, %swap3A_161] {strides = array<i32>} : memref<200x128xi32, #tpu.memory_space<vmem>>, vector<1x16xi32>,
      %swap3A_163 = vector.shape_cast %swap3A_162 : vector<1x16xi32> to vector<16xi32>
      %swap3A_164 = vector.shape_cast %add3A_159 : vector<16xi32> to vector<1x16xi32>
      tpu.vector_store %arg6[%swap3A_160, %swap3A_161], %swap3A_164 {strides = array<i32>} : memref<200x128xi32, #tpu.memory_space<vmem>>, vector<1x16xi32>,
      %mul3A_165 = arith.constant 128 : i32
      %mul3A_166 = arith.muli %scan3A_69, %mul3A_165 : i32
      %add3A_167 = arith.constant 80 : i32
      %add3A_168 = arith.addi %mul3A_166, %add3A_167 : i32
      %get3A_169 = arith.index_cast %add3A_168 : i32 to index
      %get3A_170 = tpu.vector_load %arg5[%get3A_169] {strides = array<i32>} : memref<25600xi32, #tpu.memory_space<vmem>>, vector<16xi32>,
      %get3A_171 = vector.shape_cast %get3A_170 : vector<16xi32> to vector<16xi32>
      %add3A_172 = arith.addi %mul3A_2, %add3A_168 : i32
      %add3A_173 = vector.broadcast %add3A_172 : i32 to vector<16xi32>
      %add3A_174 = arith.addi %add3A_173, %iota3A : vector<16xi32>
      %mul3A_175 = arith.constant 256 : i32
      %mul3A_176 = vector.broadcast %mul3A_175 : i32 to vector<16xi32>
      %mul3A_177 = arith.muli %add3A_174, %mul3A_176 : vector<16xi32>
      %add3A_178 = arith.addi %mul3A_177, %get3A_171 : vector<16xi32>
      %swap3A_179 = arith.index_cast %scan3A_69 : i32 to index
      %swap3A_180 = arith.constant 80 : index
      %swap3A_181 = tpu.vector_load %arg6[%swap3A_179, %swap3A_180] {strides = array<i32>} : memref<200x128xi32, #tpu.memory_space<vmem>>, vector<1x16xi32>,
      %swap3A_182 = vector.shape_cast %swap3A_181 : vector<1x16xi32> to vector<16xi32>
      %swap3A_183 = vector.shape_cast %add3A_178 : vector<16xi32> to vector<1x16xi32>
      tpu.vector_store %arg6[%swap3A_179, %swap3A_180], %swap3A_183 {strides = array<i32>} : memref<200x128xi32, #tpu.memory_space<vmem>>, vector<1x16xi32>,
      %mul3A_184 = arith.constant 128 : i32
      %mul3A_185 = arith.muli %scan3A_69, %mul3A_184 : i32
      %add3A_186 = arith.constant 96 : i32
      %add3A_187 = arith.addi %mul3A_185, %add3A_186 : i32
      %get3A_188 = arith.index_cast %add3A_187 : i32 to index
      %get3A_189 = tpu.vector_load %arg5[%get3A_188] {strides = array<i32>} : memref<25600xi32, #tpu.memory_space<vmem>>, vector<16xi32>,
      %get3A_190 = vector.shape_cast %get3A_189 : vector<16xi32> to vector<16xi32>
      %add3A_191 = arith.addi %mul3A_2, %add3A_187 : i32
      %add3A_192 = vector.broadcast %add3A_191 : i32 to vector<16xi32>
      %add3A_193 = arith.addi %add3A_192, %iota3A : vector<16xi32>
      %mul3A_194 = arith.constant 256 : i32
      %mul3A_195 = vector.broadcast %mul3A_194 : i32 to vector<16xi32>
      %mul3A_196 = arith.muli %add3A_193, %mul3A_195 : vector<16xi32>
      %add3A_197 = arith.addi %mul3A_196, %get3A_190 : vector<16xi32>
      %swap3A_198 = arith.index_cast %scan3A_69 : i32 to index
      %swap3A_199 = arith.constant 96 : index
      %swap3A_200 = tpu.vector_load %arg6[%swap3A_198, %swap3A_199] {strides = array<i32>} : memref<200x128xi32, #tpu.memory_space<vmem>>, vector<1x16xi32>,
      %swap3A_201 = vector.shape_cast %swap3A_200 : vector<1x16xi32> to vector<16xi32>
      %swap3A_202 = vector.shape_cast %add3A_197 : vector<16xi32> to vector<1x16xi32>
      tpu.vector_store %arg6[%swap3A_198, %swap3A_199], %swap3A_202 {strides = array<i32>} : memref<200x128xi32, #tpu.memory_space<vmem>>, vector<1x16xi32>,
      %mul3A_203 = arith.constant 128 : i32
      %mul3A_204 = arith.muli %scan3A_69, %mul3A_203 : i32
      %add3A_205 = arith.constant 112 : i32
      %add3A_206 = arith.addi %mul3A_204, %add3A_205 : i32
      %get3A_207 = arith.index_cast %add3A_206 : i32 to index
      %get3A_208 = tpu.vector_load %arg5[%get3A_207] {strides = array<i32>} : memref<25600xi32, #tpu.memory_space<vmem>>, vector<16xi32>,
      %get3A_209 = vector.shape_cast %get3A_208 : vector<16xi32> to vector<16xi32>
      %add3A_210 = arith.addi %mul3A_2, %add3A_206 : i32
      %add3A_211 = vector.broadcast %add3A_210 : i32 to vector<16xi32>
      %add3A_212 = arith.addi %add3A_211, %iota3A : vector<16xi32>
      %mul3A_213 = arith.constant 256 : i32
      %mul3A_214 = vector.broadcast %mul3A_213 : i32 to vector<16xi32>
      %mul3A_215 = arith.muli %add3A_212, %mul3A_214 : vector<16xi32>
      %add3A_216 = arith.addi %mul3A_215, %get3A_209 : vector<16xi32>
      %swap3A_217 = arith.index_cast %scan3A_69 : i32 to index
      %swap3A_218 = arith.constant 112 : index
      %swap3A_219 = tpu.vector_load %arg6[%swap3A_217, %swap3A_218] {strides = array<i32>} : memref<200x128xi32, #tpu.memory_space<vmem>>, vector<1x16xi32>,
      %swap3A_220 = vector.shape_cast %swap3A_219 : vector<1x16xi32> to vector<16xi32>
      %swap3A_221 = vector.shape_cast %add3A_216 : vector<16xi32> to vector<1x16xi32>
      tpu.vector_store %arg6[%swap3A_217, %swap3A_218], %swap3A_221 {strides = array<i32>} : memref<200x128xi32, #tpu.memory_space<vmem>>, vector<1x16xi32>,
      %scan3A_222 = arith.constant 0 : i32
      scf.yield %scan3A_222 : i32
    }
    %scan3A_54 = arith.constant 200 : i32
    %scan3A_55 = arith.constant 0 : i32
    %scan3A_56 = arith.constant 0 : i32
    %scan3A_57 = arith.constant 200 : i32
    %scan3A_58 = arith.addi %scan3A_56, %scan3A_57 : i32
    %scan3A_59 = arith.constant 1 : i32
    %scan3A_60 = scf.for %scan3A_69 = %scan3A_56 to %scan3A_58 step %scan3A_59 iter_args(%scan3A_70 = %scan3A_55) -> (i32)  : i32 {
      %dma_start3A = arith.constant 0 : i32
      %dma_start3A_71 = tpu.memref_slice %arg6[%scan3A_69, %dma_start3A] : memref<200x128xi32, #tpu.memory_space<vmem>> -> memref<1x128xi32, #tpu.memory_space<vmem>>
      %dma_start3A_72 = tpu.memref_squeeze %dma_start3A_71 : memref<1x128xi32, #tpu.memory_space<vmem>> -> memref<128xi32, #tpu.memory_space<vmem>>
      %dma_start3A_73 = arith.constant 0 : i32
      %dma_start3A_74 = tpu.memref_slice %arg3[%dma_start3A_73] : memref<209715200xf32, #tpu.memory_space<hbm>> -> memref<209715200xf32, #tpu.memory_space<hbm>>
      tpu.enqueue_indirect_dma source(%arg7 : memref<128xf32, #tpu.memory_space<vmem>>) target(%dma_start3A_74 : memref<209715200xf32, #tpu.memory_space<hbm>>) offsets(%dma_start3A_72 : memref<128xi32, #tpu.memory_space<vmem>>) semaphore(%arg8 : memref<!tpu.dma_semaphore, #tpu.memory_space<semaphore_mem>>)
      %ge3A = arith.constant 32 : i32
      %ge3A_75 = arith.cmpi sge, %scan3A_69, %ge3A : i32
      %convert_element_type3A = arith.extui %ge3A_75 : i1 to i32
      %cond3A = arith.constant 0 : i32
      %cond3A_76 = arith.cmpi ne, %convert_element_type3A, %cond3A : i32
      scf.if %cond3A_76 {
        %dma_wait3A = arith.constant 0 : i32
        %dma_wait3A_78 = arith.constant 0 : i32
        %dma_wait3A_79 = tpu.memref_slice %arg6[%dma_wait3A, %dma_wait3A_78] : memref<200x128xi32, #tpu.memory_space<vmem>> -> memref<1x128xi32, #tpu.memory_space<vmem>>
        %dma_wait3A_80 = tpu.memref_squeeze %dma_wait3A_79 : memref<1x128xi32, #tpu.memory_space<vmem>> -> memref<128xi32, #tpu.memory_space<vmem>>
        %dma_wait3A_81 = arith.constant 0 : i32
        %dma_wait3A_82 = tpu.memref_slice %arg3[%dma_wait3A_81] : memref<209715200xf32, #tpu.memory_space<hbm>> -> memref<209715200xf32, #tpu.memory_space<hbm>>
        tpu.wait_indirect_dma semaphore(%arg8 : memref<!tpu.dma_semaphore, #tpu.memory_space<semaphore_mem>>) src(%arg7 : memref<128xf32, #tpu.memory_space<vmem>>) dst(%dma_wait3A_82 : memref<209715200xf32, #tpu.memory_space<hbm>>)
      } else {
      }
      %scan3A_77 = arith.constant 0 : i32
      scf.yield %scan3A_77 : i32
    }
    %scan3A_61 = arith.constant 200 : i32
    %scan3A_62 = arith.constant 0 : i32
    %scan3A_63 = arith.constant 0 : i32
    %scan3A_64 = arith.constant 32 : i32
    %scan3A_65 = arith.addi %scan3A_63, %scan3A_64 : i32
    %scan3A_66 = arith.constant 1 : i32
    %scan3A_67 = scf.for %scan3A_69 = %scan3A_63 to %scan3A_65 step %scan3A_66 iter_args(%scan3A_70 = %scan3A_62) -> (i32)  : i32 {
      %dma_wait3A = arith.constant 0 : i32
      %dma_wait3A_71 = arith.constant 0 : i32
      %dma_wait3A_72 = tpu.memref_slice %arg6[%dma_wait3A, %dma_wait3A_71] : memref<200x128xi32, #tpu.memory_space<vmem>> -> memref<1x128xi32, #tpu.memory_space<vmem>>
      %dma_wait3A_73 = tpu.memref_squeeze %dma_wait3A_72 : memref<1x128xi32, #tpu.memory_space<vmem>> -> memref<128xi32, #tpu.memory_space<vmem>>
      %dma_wait3A_74 = arith.constant 0 : i32
      %dma_wait3A_75 = tpu.memref_slice %arg3[%dma_wait3A_74] : memref<209715200xf32, #tpu.memory_space<hbm>> -> memref<209715200xf32, #tpu.memory_space<hbm>>
      tpu.wait_indirect_dma semaphore(%arg8 : memref<!tpu.dma_semaphore, #tpu.memory_space<semaphore_mem>>) src(%arg7 : memref<128xf32, #tpu.memory_space<vmem>>) dst(%dma_wait3A_75 : memref<209715200xf32, #tpu.memory_space<hbm>>)
      %scan3A_76 = arith.constant 0 : i32
      scf.yield %scan3A_76 : i32
    }
    %scan3A_68 = arith.constant 32 : i32
    return
  }
}

module attributes {stable_mosaic.version = 14 : i64} {
  func.func @_zero_body(%arg0: i32, %arg1: memref<32x128x256xf32, #tpu.memory_space<vmem>>) attributes {dimension_semantics = [#tpu.dimension_semantics<arbitrary>], iteration_bounds = array<i64: 200>, scalar_prefetch = 0 : i64, scratch_operands = 0 : i64, tpu.core_type = #tpu.core_type<tc>, window_params = [{transform_indices = @transform_0, window_bounds = array<i64: 32, 128, 256>}]} {
    %broadcast_in_dim3A = arith.constant 0.000000e+00 : f32
    %broadcast_in_dim3A_0 = vector.broadcast %broadcast_in_dim3A : f32 to vector<32x128x256xf32>
    %swap3A = arith.constant 0 : index
    %swap3A_1 = arith.constant 0 : index
    %swap3A_2 = arith.constant 0 : index
    %swap3A_3 = vector.load %arg1[%swap3A, %swap3A_1, %swap3A_2] : memref<32x128x256xf32, #tpu.memory_space<vmem>>, vector<32x128x256xf32>
    tpu.vector_store %arg1[%swap3A, %swap3A_1, %swap3A_2], %broadcast_in_dim3A_0 {strides = array<i32>} : memref<32x128x256xf32, #tpu.memory_space<vmem>>, vector<32x128x256xf32>,
    return
  }
  func.func @transform_0(%arg0: i32) -> (i32, i32, i32) {
    %c0_i32 = arith.constant 0 : i32
    %c0_i32_0 = arith.constant 0 : i32
    %c0_i32_1 = arith.constant 0 : i32
    return %arg0, %c0_i32, %c0_i32_0 : i32, i32, i32
  }
}

</mosaic_0001>

<sc_bundles>
// kernel: _onehot.4.cloned.1.call-start
scs
__scs_entry_jumppad:
0x0: {  	(pc) =	sbr.rel $0x88, $3  }
0x1: {  	(tag) =	ssettag $0x0;
	lr =	simm.s32 $0x1  }
0x2: {  	[smem:$0x3FA0] =	sst lr;
	_ =	strace $0xD0000000  }
0x3: {  	_ = 	snop  }
0x4: {  	_ = 	snop  }
0x5: {  	_ = 	snop  }
0x6: {  	_ = 	snop  }
0x7: {  	_ = 	snop  }
__scs_overlays_trampoline_lowered:
0x8: {  	[smem:$0x3FAF] =	sst s0  }
0x9: {  	[smem:$0x3FB0] =	sst s1  }
0xa: {  	[smem:$0x3FB1] =	sst s2  }
0xb: {  	[smem:$0x3FB2] =	sst s3  }
0xc: {  	[smem:$0x3FB3] =	sst s4  }
0xd: {  	[smem:$0x3FB4] =	sst s5  }
0xe: {  	[smem:$0x3FB5] =	sst s6  }
0xf: {  	[smem:$0x3FB6] =	sst s7  }
0x10: {  	[smem:$0x3FB7] =	sst s8  }
0x11: {  	[smem:$0x3FB8] =	sst s9;
	s0 =	simm.s32 @!p0 $0x0  }
0x12: {  	s1 =	sld [smem:$0x3F9E];
	s0 =	simm.s32 @p0 $0x1  }
0x13: {  	[smem:$0x3FB9] =	sst s0;
	s0 =	simm.s32 @!p1 $0x0  }
0x14: {  	s2 =	sld [smem:$0x3F9D];
	s0 =	simm.s32 @p1 $0x1  }
0x15: {  	[smem:$0x3FBA] =	sst s0;
	s0 =	simm.s32 @!p2 $0x0  }
0x16: {  	s3 =	sld [smem:$0x3FDB];
	s0 =	simm.s32 @p2 $0x1  }
0x17: {  	s4 =	simm.s32 $0x1BF5;
	[smem:$0x3FBC] =	sst s0  }
0x18: {  	s0 =	sld [smem:$0x3F9F];
	_ =	swait.ge [sflag:s4], $0x0  }
0x19: {  	s7 =	sld [smem:$0x3FA0]  }
0x1a: {  	s8 =	sadd.s32 $0xFFFFE003, lr  }
0x1b: {  	s9 =	sadd.s32 $0xFFFFFEF7, lr;
	s5 =	simm.s32 $0xFFFFFFFF;
	p2 =	slt.u32 s8, $0xFFFFF086  }
0x1c: {  	p1 =	slt.u32 s9, $0xF7A;
	s5 =	simm.s32 @!p2 $0x0  }
0x1d: {  	s5 =	simm.s32 @p1 $0x1;
	p0 =	seq.s32 s7, s2  }
0x1e: {  	s7 =	smul.u32 @!p0 $0xF7A, s2;
	p2 =	seq.s32 @!p0 s5, $0x0  }
0x1f: {  	s9 =	smul.u32 $0xF7A, s1;
	s8 =	simm.s32 @!p0 $0x1BF5;
	p2 =	por !p2, p0  }
0x20: {  	[sflag:s8] =	ssyncset.s32 @!p0 $0xFFFFF086;
	s6 =	sadd.s32 @!p0 s3, s7;
	s7 =	simm.s32 @!p0 $0x108  }
0x21: {  	s3 =	sadd.s32 s3, s9;
	s6 =	sadd.s32 @!p0 $0x88, s6;
	s7 =	simm.s32 @p2 $0x1082  }
0x22: {  	[simem:s7], [sflag:s8] =	dma.local @!p0 [hbm:s6], $0xF7A  }
0x23: {  	s9 =	sor.u32 $0xD0000000, s2;
	s6 =	simm.s32 $0x108;
	_ =	swait.ge @!p0 [sflag:s8], $0x0  }
0x24: {  	s3 =	sadd.s32 $0x88, s3;
	s6 =	simm.s32 @!p1 $0x1082;
	[sflag:s4] =	ssyncset.s32 $0xFFFFF086  }
0x25: {  	[simem:s6], [sflag:s4] =	dma.local [hbm:s3], $0xF7A  }
0x26: {  	[smem:$0x3FA0] =	sst s1;
	(tag) =	ssettag s2;
	_ =	strace s9  }
0x27: {  	s1 =	sld [smem:$0x3FB0]  }
0x28: {  	s2 =	sld [smem:$0x3FB1]  }
0x29: {  	s4 =	sld [smem:$0x3FB3]  }
0x2a: {  	p0 =	seq.s32 s5, $0x0;
	s5 =	sld [smem:$0x3FB4]  }
0x2b: {  	s6 =	sld [smem:$0x3FB5]  }
0x2c: {  	s7 =	sld [smem:$0x3FB6]  }
0x2d: {  	s3 =	simm.s32 $0x108;
	s8 =	sld [smem:$0x3FB7]  }
0x2e: {  	s3 =	simm.s32 @!p0 $0x1082;
	s9 =	sld [smem:$0x3FB8]  }
0x2f: {  	lr =	sadd.s32 s0, s3;
	s0 =	sld [smem:$0x3FAF]  }
0x30: {  	s3 =	sld [smem:$0x3FB2]  }
0x31: {  	[smem:$0x3FBB] =	sst s10  }
0x32: {  	s10 =	sld [smem:$0x3FB9];
	_ =	sdelay $0x3  }
0x33: {  	p0 =	seq.s32 s10, $0x1;
	s10 =	sld [smem:$0x3FBB];
	_ =	sdelay $0x3  }
0x34: {  	[smem:$0x3FBB] =	sst s10  }
0x35: {  	s10 =	sld [smem:$0x3FBA];
	_ =	sdelay $0x3  }
0x36: {  	p1 =	seq.s32 s10, $0x1;
	s10 =	sld [smem:$0x3FBB];
	_ =	sdelay $0x3  }
0x37: {  	[smem:$0x3FBB] =	sst s10  }
0x38: {  	s10 =	sld [smem:$0x3FBC]  }
0x39: {  	_ = 	snop;
	(pc) =	sbr.ind lr, $3  }
0x3a: {  	_ = 	snop  }
0x3b: {  	_ = 	snop  }
0x3c: {  	p2 =	seq.s32 s10, $0x1;
	s10 =	sld [smem:$0x3FBB]  }
0x3d: {  	_ =	shalt  }
0x3e: {  	_ =	shalt  }
0x3f: {  	_ =	shalt  }
0x40: {  	_ =	shalt  }
0x41: {  	_ =	shalt  }
0x42: {  	_ =	shalt  }
0x43: {  	_ =	shalt  }
0x44: {  	_ =	shalt  }
0x45: {  	_ =	shalt  }
0x46: {  	_ =	shalt  }
0x47: {  	_ =	shalt  }
0x48: {  	_ =	shalt  }
0x49: {  	_ =	shalt  }
0x4a: {  	_ =	shalt  }
0x4b: {  	_ =	shalt  }
0x4c: {  	_ =	shalt  }
0x4d: {  	_ =	shalt  }
0x4e: {  	_ =	shalt  }
0x4f: {  	_ =	shalt  }
0x50: {  	_ =	shalt  }
0x51: {  	_ =	shalt  }
0x52: {  	_ =	shalt  }
0x53: {  	_ =	shalt  }
0x54: {  	_ =	shalt  }
0x55: {  	_ =	shalt  }
0x56: {  	_ =	shalt  }
0x57: {  	_ =	shalt  }
0x58: {  	_ =	shalt  }
0x59: {  	_ =	shalt  }
0x5a: {  	_ =	shalt  }
0x5b: {  	_ =	shalt  }
0x5c: {  	_ =	shalt  }
0x5d: {  	_ =	shalt  }
0x5e: {  	_ =	shalt  }
0x5f: {  	_ =	shalt  }
0x60: {  	_ =	shalt  }
0x61: {  	_ =	shalt  }
0x62: {  	_ =	shalt  }
0x63: {  	_ =	shalt  }
0x64: {  	_ =	shalt  }
0x65: {  	_ =	shalt  }
0x66: {  	_ =	shalt  }
0x67: {  	_ =	shalt  }
0x68: {  	_ =	shalt  }
0x69: {  	_ =	shalt  }
0x6a: {  	_ =	shalt  }
0x6b: {  	_ =	shalt  }
0x6c: {  	_ =	shalt  }
0x6d: {  	_ =	shalt  }
0x6e: {  	_ =	shalt  }
0x6f: {  	_ =	shalt  }
0x70: {  	_ =	shalt  }
0x71: {  	_ =	shalt  }
0x72: {  	_ =	shalt  }
0x73: {  	_ =	shalt  }
0x74: {  	_ =	shalt  }
0x75: {  	_ =	shalt  }
0x76: {  	_ =	shalt  }
0x77: {  	_ =	shalt  }
0x78: {  	_ =	shalt  }
0x79: {  	_ =	shalt  }
0x7a: {  	_ =	shalt  }
0x7b: {  	_ =	shalt  }
0x7c: {  	_ =	shalt  }
0x7d: {  	_ =	shalt  }
0x7e: {  	_ =	shalt  }
0x7f: {  	_ =	shalt  }
0x80: {  	_ =	shalt  }
0x81: {  	_ =	shalt  }
0x82: {  	_ =	shalt  }
0x83: {  	_ =	shalt  }
0x84: {  	_ =	shalt  }
0x85: {  	_ =	shalt  }
0x86: {  	_ =	shalt  }
0x87: {  	_ =	shalt  }
.Lfunc_end0:
.L_simem_size_0:
called_computation.1_lowered:
.L_overlay_start_0:
0x88: {  	s2 =	sld [smem:$0x3FD9]  }
0x89: {  	s3 =	sld [smem:$0x3FFE];
	_ =	sdelay $0x1  }
0x8a: {  	s1 =	srdreg.scid  }
0x8b: {  	s0 =	sand.u32 $0x1, s1  }
0x8c: {  	s17 =	sshll.u32 s0, $0xA;
	s2 =	sadd.s32 s3, s2  }
0x8d: {  	s2 =	sadd.s32 s2, s17  }
0x8e: {  	[smem:$0x3FC7] =	sst s2  }
0x8f: {  	_ = 	snop  }
0x90: {  	s2 =	sld [smem:$0x3FD0];
	(tm) =	ssettm $0x1  }
0x91: {  	s18 =	sld [smem:$0x3FFB];
	_ =	sdelay $0x3  }
0x92: {  	_ =	strace s18  }
0x93: {  	s3 =	sld [smem:$0x3FFC];
	_ =	sdelay $0x3  }
0x94: {  	_ =	strace s3  }
0x95: {  	s3 =	sld [smem:$0x3FFD];
	_ =	sdelay $0x3  }
0x96: {  	_ =	strace s3  }
0x97: {  	_ =	strace $0x8FFFFFFF  }
0x98: {  	s19 =	sld [smem:$0x3FDB];
	_ =	sdelay $0x1  }
0x99: {  	s4 =	simm.s32 $_scs_section_size  }
0x9a: {  	s5 =	simm.s32 $_size__tile_overlayer_lowered;
	s6 =	simm.s32 $_tile_overlayer_lowered  }
0x9b: {  	s22 =	simm.s32 $0x1BFF;
	s21 =	sshll.u32 s6, $0x1;
	s3 =	sadd.s32 s4, s19  }
0x9c: {  	s7 =	simm.s32 $0x0;
	s20 =	sshll.u32 s5, $0x1;
	s5 =	sadd.s32 s21, s3  }
0x9d: {  	[timem:s7], [sflag:s22] =	dma.local [hbm:s5], s20  }
0x9e: {  	_ =	swait.ge [sflag:s22], s20  }
0x9f: {  	s4 =	ssub.s32 $0x0, s20;
	[sflag:s22] =	ssyncset.done $0x0  }
0xa0: {  	[sflag:s22] =	ssyncadd.s32 s4;
	_ =	sdelay $0x1  }
0xa1: {  	s23 =	simm.s32 $0x1B8B  }
0xa2: {  	_ =	swait.ge [sflag:s23], $0x1  }
0xa3: {  	[sflag:s23] =	ssyncset.done $0x0  }
0xa4: {  	s25 =	simm.s32 $0x1B8E;
	s24 =	sld [smem:$0x3FFE];
	[sflag:s23] =	ssyncadd.s32 $0xFFFFFFFF  }
0xa5: {  	s26 =	simm.s32 $execute0_lowered;
	[smem:$0x3FD2] =	sst s25  }
0xa6: {  	s5 =	sshll.u32 s26, $0x1;
	_ =	strace $0x80000049;
	[dreg:$0x1] =	wrdreg $0xFFFFFFFF  }
0xa7: {  	s28 =	simm.s32 $_size_execute0_lowered;
	s3 =	sadd.s32 s3, s5;
	[dreg:$0x0] =	wrdreg $0x0  }
0xa8: {  	s5 =	sshll.u32 s28, $0x1;
	[dreg:$0x2] =	wrdreg s3  }
0xa9: {  	[dreg:$0x3] =	wrdreg s5  }
0xaa: {  	[dreg:$0x4] =	wrdreg $0xC0  }
0xab: {  	_ =	task [dreg:s7], $0x5FFFF  }
0xac: {  	[dreg:$0x1] =	wrdreg $0xFFFFFFFF  }
0xad: {  	[dreg:$0x0] =	wrdreg $0x60  }
0xae: {  	[dreg:$0x2] =	wrdreg s24  }
0xaf: {  	[dreg:$0x3] =	wrdreg s2  }
0xb0: {  	[dreg:$0x4] =	wrdreg $0x9  }
0xb1: {  	_ =	task.clear_ibuf [dreg:s7], $0x5FFFF;
	_ =	strace $0x90000049  }
0xb2: {  	s29 =	simm.s32 $0x9;
	_ =	strace $0x8000004B  }
0xb3: {  	_ =	swait.ge [sflag:s29], $0x1  }
0xb4: {  	[sflag:s29] =	ssyncadd.s32 $0xFFFFFFFF  }
0xb5: {  	_ =	strace $0x9000004B  }
0xb6: {  	_ =	sfence  }
0xb7: {  	s30 =	sld [smem:$0x0];
	_ =	sdelay $0x2  }
0xb8: {  	s31 =	sshll.u32 s1, $0xD;
	s1 =	sshrl.u32 s1, $0x2  }
0xb9: {  	s3 =	sand.u32 $0x4000, s31;
	s1 =	sadd.s32 s1, s30  }
0xba: {  	s0 =	sor.u32 s3, s0;
	s1 =	sshll.u32 s1, $0x11  }
0xbb: {  	s0 =	sor.u32 s1, s0  }
0xbc: {  	s0 =	sadd.s32 $0x8F2B, s0  }
0xbd: {  	[sflag:s0] =	ssyncadd.remote.s32 $0x1  }
0xbe: {  	_ =	sfence.sel $0xFFFF  }
0xbf: {  	[dreg:$0x0] =	wrdreg $0xFFFFFFFF;
	(pc) =	sbr.abs _section_cstart, $3  }
0xc0: {  	[dreg:$0x1] =	wrdreg $0xFFFFFFFF  }
0xc1: {  	_ =	task.clear_ibuf [dreg:s7], $0x2FFFF;
	_ =	strace $0x9FFFFFFF  }
0xc2: {  	(tm) =	ssettm $0x7FFFFFFF  }
0xc3: {  	_ =	shalt  }
tec
execute0_lowered:
.L_overlay_start_1:
0x0: {  	(tag) =	ssettag $0x1  }
0x1: {  	s1 =	srdreg.scid  }
0x2: {  	s0 =	stileid.u32;
	s4 =	rddreg [dreg:$0x0]  }
0x3: {  	s2 =	rddreg [dreg:$0x1];
	s3 =	simm.s32 $0x0;
	s10 =	simm.s32 $0x1  }
0x4: {  	s11 =	simm.s32 $0x0;
	s5 =	sand.u32 $0x1, s1;
	s29 =	sshll.u32 s0, $0x1  }
0x5: {  	s1 =	rddreg [dreg:$0x2];
	s9 =	smul.u32 $0xC800, s0;
	s6 =	sor.u32 s5, s29  }
0x6: {  	[smem:$0x7FF] =	sst s3;
	s7 =	ssub.s32 $0x2, s5;
	s6 =	smul.u32 $0x6400, s6  }
0x7: {  	s31 =	smul.u32 $0x6400, s5;
	_ =	strace $0x8000004A;
	s8 =	sshrl.u32 s7, $0x1  }
0x8: {  	s30 =	ssub.s32 s7, s8;
	s7 =	simm.s32 $0x2;
	s6 =	sshrl.u32 s6, $0x3  }
0x9: {  	v1 =	vlaneseq.u32;
	s8 =	simm.s32 $0x80;
	s5 =	smax.u32 s30, $0x1;
	s4 =	sadd.s32 s6, s4  }
0xa: {  	v0 =	vimm.f32 $1.000000000e+00;
	v1 =	vmul.u32 $0x100, v1;
	s6 =	sadd.s32 s31, s9;
	s9 =	simm.s32 $0xC800;
	s4 =	sadd.s32 $0x1900A00, s4  }
.LBB2_1:
0xb: {  	[tilespmem:s3], [sflag:$0x2] =	stream.linear.gather [hbm4b:s4+s3], $0x6400, $0x38;
	[tilespmem:$0xC880] =	vst v63  }
0xc: {  	_ =	swait.ge [sflag:s7], $0x6400  }
0xd: {  	[sflag:s7] =	ssyncset.done $0x0  }
0xe: {  	[sflag:s7] =	ssyncadd.s32 $0xFFFF9C00  }
0xf: {  	[tilespmem:$0xC800] =	vst v0  }
0x10: {  	[tilespmem:$0xC810] =	vst v0  }
0x11: {  	[tilespmem:$0xC820] =	vst v0  }
0x12: {  	[tilespmem:$0xC830] =	vst v0  }
0x13: {  	[tilespmem:$0xC840] =	vst v0  }
0x14: {  	[tilespmem:$0xC850] =	vst v0  }
0x15: {  	[tilespmem:$0xC860] =	vst v0  }
0x16: {  	s13 =	simm.s32 $0x40;
	[tilespmem:$0xC870] =	vst v0  }
0x17: {  	v2 =	vld [tilespmem:s13+$0xFFFFFFC0]  }
0x18: {  	s14 =	sadd.s32 $0x0, s6  }
0x19: {  	v3 =	vmov s14  }
0x1a: {  	v3 =	vshll.u32 v3, $0x8  }
0x1b: {  	v3 =	vor.u32 v1, v3  }
0x1c: {  	s12 =	simm.s32 $0x6440;
	v2 =	vadd.s32 v3, v2  }
0x1d: {  	[tilespmem:s12+$0xFFFFFFC0] =	vst v2  }
0x1e: {  	v2 =	vld [tilespmem:s13+$0xFFFFFFD0]  }
0x1f: {  	s15 =	sadd.s32 $0x10, s14  }
0x20: {  	v3 =	vmov s15  }
0x21: {  	v3 =	vshll.u32 v3, $0x8  }
0x22: {  	v3 =	vor.u32 v1, v3  }
0x23: {  	v2 =	vadd.s32 v3, v2  }
0x24: {  	[tilespmem:s12+$0xFFFFFFD0] =	vst v2  }
0x25: {  	v2 =	vld [tilespmem:s13+$0xFFFFFFE0]  }
0x26: {  	s25 =	sadd.s32 $0x20, s14  }
0x27: {  	v3 =	vmov s25  }
0x28: {  	v3 =	vshll.u32 v3, $0x8  }
0x29: {  	v3 =	vor.u32 v1, v3  }
0x2a: {  	v2 =	vadd.s32 v3, v2  }
0x2b: {  	[tilespmem:s12+$0xFFFFFFE0] =	vst v2  }
0x2c: {  	v2 =	vld [tilespmem:s13+$0xFFFFFFF0]  }
0x2d: {  	s26 =	sadd.s32 $0x30, s14  }
0x2e: {  	v3 =	vmov s26  }
0x2f: {  	v3 =	vshll.u32 v3, $0x8  }
0x30: {  	v3 =	vor.u32 v1, v3  }
0x31: {  	v2 =	vadd.s32 v3, v2  }
0x32: {  	[tilespmem:s12+$0xFFFFFFF0] =	vst v2  }
0x33: {  	v2 =	vld [tilespmem:s13+$0x0]  }
0x34: {  	s28 =	sadd.s32 $0x40, s14  }
0x35: {  	v3 =	vmov s28  }
0x36: {  	v3 =	vshll.u32 v3, $0x8  }
0x37: {  	v3 =	vor.u32 v1, v3  }
0x38: {  	v2 =	vadd.s32 v3, v2  }
0x39: {  	[tilespmem:s12+$0x0] =	vst v2  }
0x3a: {  	v2 =	vld [tilespmem:s13+$0x10]  }
0x3b: {  	s29 =	sadd.s32 $0x50, s14  }
0x3c: {  	v3 =	vmov s29  }
0x3d: {  	v3 =	vshll.u32 v3, $0x8  }
0x3e: {  	v3 =	vor.u32 v1, v3  }
0x3f: {  	v2 =	vadd.s32 v3, v2  }
0x40: {  	[tilespmem:s12+$0x10] =	vst v2  }
0x41: {  	v2 =	vld [tilespmem:s13+$0x20]  }
0x42: {  	s30 =	sadd.s32 $0x60, s14  }
0x43: {  	v3 =	vmov s30  }
0x44: {  	v3 =	vshll.u32 v3, $0x8  }
0x45: {  	v3 =	vor.u32 v1, v3  }
0x46: {  	v2 =	vadd.s32 v3, v2  }
0x47: {  	[tilespmem:s12+$0x20] =	vst v2  }
0x48: {  	v2 =	vld [tilespmem:s13+$0x30]  }
0x49: {  	s31 =	sadd.s32 $0x70, s14  }
0x4a: {  	v3 =	vmov s31  }
0x4b: {  	v3 =	vshll.u32 v3, $0x8  }
0x4c: {  	v3 =	vor.u32 v1, v3  }
0x4d: {  	v2 =	vadd.s32 v3, v2  }
0x4e: {  	s13 =	simm.s32 $0xC0;
	[tilespmem:s12+$0x30] =	vst v2  }
0x4f: {  	s14 =	simm.s32 $0x80;
	s15 =	simm.s32 $0x100;
	v2 =	vld [tilespmem:s13+$0xFFFFFFC0]  }
.LBB2_2:
0x50: {  	p0 =	sne.s32 s15, $0x6380;
	s16 =	sadd.s32 s14, s6;
	s14 =	smov.u32 s15  }
0x51: {  	v3 =	vmov s16  }
0x52: {  	v3 =	vshll.u32 v3, $0x8  }
0x53: {  	v3 =	vor.u32 v1, v3  }
0x54: {  	s12 =	sadd.s32 $0x80, s12;
	v2 =	vadd.s32 v3, v2  }
0x55: {  	[tilespmem:s12+$0xFFFFFFC0] =	vst v2  }
0x56: {  	v2 =	vld [tilespmem:s13+$0xFFFFFFD0]  }
0x57: {  	s17 =	sadd.s32 $0x10, s16  }
0x58: {  	v3 =	vmov s17  }
0x59: {  	v3 =	vshll.u32 v3, $0x8  }
0x5a: {  	v3 =	vor.u32 v1, v3  }
0x5b: {  	v2 =	vadd.s32 v3, v2  }
0x5c: {  	[tilespmem:s12+$0xFFFFFFD0] =	vst v2  }
0x5d: {  	v2 =	vld [tilespmem:s13+$0xFFFFFFE0]  }
0x5e: {  	s17 =	sadd.s32 $0x20, s16  }
0x5f: {  	v3 =	vmov s17  }
0x60: {  	v3 =	vshll.u32 v3, $0x8  }
0x61: {  	v3 =	vor.u32 v1, v3  }
0x62: {  	v2 =	vadd.s32 v3, v2  }
0x63: {  	[tilespmem:s12+$0xFFFFFFE0] =	vst v2  }
0x64: {  	v2 =	vld [tilespmem:s13+$0xFFFFFFF0]  }
0x65: {  	s17 =	sadd.s32 $0x30, s16  }
0x66: {  	v3 =	vmov s17  }
0x67: {  	v3 =	vshll.u32 v3, $0x8  }
0x68: {  	v3 =	vor.u32 v1, v3  }
0x69: {  	v2 =	vadd.s32 v3, v2  }
0x6a: {  	[tilespmem:s12+$0xFFFFFFF0] =	vst v2  }
0x6b: {  	v2 =	vld [tilespmem:s13+$0x0]  }
0x6c: {  	s17 =	sadd.s32 $0x40, s16  }
0x6d: {  	v3 =	vmov s17  }
0x6e: {  	v3 =	vshll.u32 v3, $0x8  }
0x6f: {  	v3 =	vor.u32 v1, v3  }
0x70: {  	v2 =	vadd.s32 v3, v2  }
0x71: {  	[tilespmem:s12+$0x0] =	vst v2  }
0x72: {  	v2 =	vld [tilespmem:s13+$0x10]  }
0x73: {  	s17 =	sadd.s32 $0x50, s16  }
0x74: {  	v3 =	vmov s17  }
0x75: {  	v3 =	vshll.u32 v3, $0x8  }
0x76: {  	v3 =	vor.u32 v1, v3  }
0x77: {  	v2 =	vadd.s32 v3, v2  }
0x78: {  	[tilespmem:s12+$0x10] =	vst v2  }
0x79: {  	v2 =	vld [tilespmem:s13+$0x20]  }
0x7a: {  	s17 =	sadd.s32 $0x60, s16  }
0x7b: {  	v3 =	vmov s17  }
0x7c: {  	v3 =	vshll.u32 v3, $0x8  }
0x7d: {  	v3 =	vor.u32 v1, v3  }
0x7e: {  	v2 =	vadd.s32 v3, v2  }
0x7f: {  	[tilespmem:s12+$0x20] =	vst v2  }
0x80: {  	v2 =	vld [tilespmem:s13+$0x30]  }
0x81: {  	s16 =	sadd.s32 $0x70, s16  }
0x82: {  	v3 =	vmov s16  }
.Ltmp0:
0x83: {  	v3 =	vshll.u32 v3, $0x8;
	(pc) =	sbr.rel @p0 .LBB2_2-.Ltmp0, $4  }
0x84: {  	v3 =	vor.u32 v1, v3  }
0x85: {  	v2 =	vadd.s32 v3, v2  }
0x86: {  	s13 =	sadd.s32 $0x80, s13;
	[tilespmem:s12+$0x30] =	vst v2  }
0x87: {  	s15 =	sadd.s32 $0x80, s15;
	v2 =	vld [tilespmem:s13+$0xFFFFFFC0]  }
0x88: {  	s14 =	sadd.s32 s14, s6  }
0x89: {  	v3 =	vmov s14  }
0x8a: {  	v3 =	vshll.u32 v3, $0x8  }
0x8b: {  	v3 =	vor.u32 v1, v3  }
0x8c: {  	s12 =	sadd.s32 $0x80, s12;
	v2 =	vadd.s32 v3, v2  }
0x8d: {  	[tilespmem:s12+$0xFFFFFFC0] =	vst v2  }
0x8e: {  	v2 =	vld [tilespmem:s13+$0xFFFFFFD0]  }
0x8f: {  	s15 =	sadd.s32 $0x10, s14  }
0x90: {  	v3 =	vmov s15  }
0x91: {  	v3 =	vshll.u32 v3, $0x8  }
0x92: {  	v3 =	vor.u32 v1, v3  }
0x93: {  	v2 =	vadd.s32 v3, v2  }
0x94: {  	[tilespmem:s12+$0xFFFFFFD0] =	vst v2  }
0x95: {  	v2 =	vld [tilespmem:s13+$0xFFFFFFE0]  }
0x96: {  	s25 =	sadd.s32 $0x20, s14  }
0x97: {  	v3 =	vmov s25  }
0x98: {  	v3 =	vshll.u32 v3, $0x8  }
0x99: {  	v3 =	vor.u32 v1, v3  }
0x9a: {  	v2 =	vadd.s32 v3, v2  }
0x9b: {  	[tilespmem:s12+$0xFFFFFFE0] =	vst v2  }
0x9c: {  	v2 =	vld [tilespmem:s13+$0xFFFFFFF0]  }
0x9d: {  	s26 =	sadd.s32 $0x30, s14  }
0x9e: {  	v3 =	vmov s26  }
0x9f: {  	v3 =	vshll.u32 v3, $0x8  }
0xa0: {  	v3 =	vor.u32 v1, v3  }
0xa1: {  	v2 =	vadd.s32 v3, v2  }
0xa2: {  	[tilespmem:s12+$0xFFFFFFF0] =	vst v2  }
0xa3: {  	v2 =	vld [tilespmem:s13+$0x0]  }
0xa4: {  	s28 =	sadd.s32 $0x40, s14  }
0xa5: {  	v3 =	vmov s28  }
0xa6: {  	v3 =	vshll.u32 v3, $0x8  }
0xa7: {  	v3 =	vor.u32 v1, v3  }
0xa8: {  	v2 =	vadd.s32 v3, v2  }
0xa9: {  	[tilespmem:s12+$0x0] =	vst v2  }
0xaa: {  	v2 =	vld [tilespmem:s13+$0x10]  }
0xab: {  	s29 =	sadd.s32 $0x50, s14  }
0xac: {  	v3 =	vmov s29  }
0xad: {  	v3 =	vshll.u32 v3, $0x8  }
0xae: {  	v3 =	vor.u32 v1, v3  }
0xaf: {  	v2 =	vadd.s32 v3, v2  }
0xb0: {  	[tilespmem:s12+$0x10] =	vst v2  }
0xb1: {  	v2 =	vld [tilespmem:s13+$0x20]  }
0xb2: {  	s30 =	sadd.s32 $0x60, s14  }
0xb3: {  	v3 =	vmov s30  }
0xb4: {  	v3 =	vshll.u32 v3, $0x8  }
0xb5: {  	v3 =	vor.u32 v1, v3  }
0xb6: {  	v2 =	vadd.s32 v3, v2  }
0xb7: {  	[tilespmem:s12+$0x20] =	vst v2  }
0xb8: {  	v2 =	vld [tilespmem:s13+$0x30]  }
0xb9: {  	s31 =	sadd.s32 $0x70, s14  }
0xba: {  	v3 =	vmov s31  }
0xbb: {  	v3 =	vshll.u32 v3, $0x8  }
0xbc: {  	v3 =	vor.u32 v1, v3  }
0xbd: {  	p0 =	por $0x1, $0x1;
	v2 =	vadd.s32 v3, v2  }
0xbe: {  	s14 =	simm.s32 @!p0 $0x1;
	[tilespmem:s12+$0x30] =	vst v2;
	s12 =	simm.s32 $0x6400  }
0xbf: {  	[hbm4b:s2+s8] =	stream.indirect.scatter [tilespmem:s9], [sflag:$0x1], $0x1, s12, s8, $0xb8;
	[tilespmem:$0xC880] =	vst v63  }
0xc0: {  	_ =	swait.ge @!p0 [sflag:s14], $0x80  }
0xc1: {  	s13 =	simm.s32 $0x1;
	[sflag:s14] =	ssyncset.done @!p0 $0x0  }
.LBB2_4:
0xc2: {  	[sflag:s14] =	ssyncadd.s32 @!p0 $0xFFFFFF80  }
0xc3: {  	s12 =	sadd.s32 $0x80, s12;
	s14 =	smov.u32 s13;
	s13 =	sadd.s32 $0x1, s13  }
0xc4: {  	p1 =	sne.s32 s13, $0xC8  }
0xc5: {  	[hbm4b:s2+s8] =	stream.indirect.scatter [tilespmem:s9], [sflag:$0x1], $0x1, s12, s8, $0xb8;
	[tilespmem:$0xC880] =	vst v63  }
.Ltmp1:
0xc6: {  	_ = 	snop;
	(pc) =	sbr.rel @p1 .LBB2_4-.Ltmp1, $4  }
0xc7: {  	p0 =	slt.u32 s14, $0x20  }
0xc8: {  	s14 =	simm.s32 @!p0 $0x1  }
0xc9: {  	_ =	swait.ge @!p0 [sflag:s14], $0x80  }
0xca: {  	[sflag:s14] =	ssyncset.done @!p0 $0x0  }
0xcb: {  	[sflag:s14] =	ssyncadd.s32 @!p0 $0xFFFFFF80  }
0xcc: {  	_ =	swait.ge [sflag:s10], $0x80  }
0xcd: {  	[sflag:s10] =	ssyncset.done $0x0  }
0xce: {  	[sflag:s10] =	ssyncadd.s32 $0xFFFFFF80  }
0xcf: {  	_ =	swait.ge [sflag:s10], $0x80  }
0xd0: {  	[sflag:s10] =	ssyncset.done $0x0  }
0xd1: {  	[sflag:s10] =	ssyncadd.s32 $0xFFFFFF80  }
0xd2: {  	_ =	swait.ge [sflag:s10], $0x80  }
0xd3: {  	[sflag:s10] =	ssyncset.done $0x0  }
0xd4: {  	[sflag:s10] =	ssyncadd.s32 $0xFFFFFF80  }
0xd5: {  	_ =	swait.ge [sflag:s10], $0x80  }
0xd6: {  	[sflag:s10] =	ssyncset.done $0x0  }
0xd7: {  	[sflag:s10] =	ssyncadd.s32 $0xFFFFFF80  }
0xd8: {  	_ =	swait.ge [sflag:s10], $0x80  }
0xd9: {  	[sflag:s10] =	ssyncset.done $0x0  }
0xda: {  	[sflag:s10] =	ssyncadd.s32 $0xFFFFFF80  }
0xdb: {  	_ =	swait.ge [sflag:s10], $0x80  }
0xdc: {  	[sflag:s10] =	ssyncset.done $0x0  }
0xdd: {  	[sflag:s10] =	ssyncadd.s32 $0xFFFFFF80  }
0xde: {  	_ =	swait.ge [sflag:s10], $0x80  }
0xdf: {  	[sflag:s10] =	ssyncset.done $0x0  }
0xe0: {  	[sflag:s10] =	ssyncadd.s32 $0xFFFFFF80  }
0xe1: {  	_ =	swait.ge [sflag:s10], $0x80  }
0xe2: {  	[sflag:s10] =	ssyncset.done $0x0  }
0xe3: {  	[sflag:s10] =	ssyncadd.s32 $0xFFFFFF80  }
0xe4: {  	_ =	swait.ge [sflag:s10], $0x80  }
0xe5: {  	[sflag:s10] =	ssyncset.done $0x0  }
0xe6: {  	[sflag:s10] =	ssyncadd.s32 $0xFFFFFF80  }
0xe7: {  	_ =	swait.ge [sflag:s10], $0x80  }
0xe8: {  	[sflag:s10] =	ssyncset.done $0x0  }
0xe9: {  	[sflag:s10] =	ssyncadd.s32 $0xFFFFFF80  }
0xea: {  	_ =	swait.ge [sflag:s10], $0x80  }
0xeb: {  	[sflag:s10] =	ssyncset.done $0x0  }
0xec: {  	[sflag:s10] =	ssyncadd.s32 $0xFFFFFF80  }
0xed: {  	_ =	swait.ge [sflag:s10], $0x80  }
0xee: {  	[sflag:s10] =	ssyncset.done $0x0  }
0xef: {  	[sflag:s10] =	ssyncadd.s32 $0xFFFFFF80  }
0xf0: {  	_ =	swait.ge [sflag:s10], $0x80  }
0xf1: {  	[sflag:s10] =	ssyncset.done $0x0  }
0xf2: {  	[sflag:s10] =	ssyncadd.s32 $0xFFFFFF80  }
0xf3: {  	_ =	swait.ge [sflag:s10], $0x80  }
0xf4: {  	[sflag:s10] =	ssyncset.done $0x0  }
0xf5: {  	[sflag:s10] =	ssyncadd.s32 $0xFFFFFF80  }
0xf6: {  	_ =	swait.ge [sflag:s10], $0x80  }
0xf7: {  	[sflag:s10] =	ssyncset.done $0x0  }
0xf8: {  	[sflag:s10] =	ssyncadd.s32 $0xFFFFFF80  }
0xf9: {  	_ =	swait.ge [sflag:s10], $0x80  }
0xfa: {  	[sflag:s10] =	ssyncset.done $0x0  }
0xfb: {  	[sflag:s10] =	ssyncadd.s32 $0xFFFFFF80  }
0xfc: {  	_ =	swait.ge [sflag:s10], $0x80  }
0xfd: {  	[sflag:s10] =	ssyncset.done $0x0  }
0xfe: {  	[sflag:s10] =	ssyncadd.s32 $0xFFFFFF80  }
0xff: {  	_ =	swait.ge [sflag:s10], $0x80  }
0x100: {  	[sflag:s10] =	ssyncset.done $0x0  }
0x101: {  	[sflag:s10] =	ssyncadd.s32 $0xFFFFFF80  }
0x102: {  	_ =	swait.ge [sflag:s10], $0x80  }
0x103: {  	[sflag:s10] =	ssyncset.done $0x0  }
0x104: {  	[sflag:s10] =	ssyncadd.s32 $0xFFFFFF80  }
0x105: {  	_ =	swait.ge [sflag:s10], $0x80  }
0x106: {  	[sflag:s10] =	ssyncset.done $0x0  }
0x107: {  	[sflag:s10] =	ssyncadd.s32 $0xFFFFFF80  }
0x108: {  	_ =	swait.ge [sflag:s10], $0x80  }
0x109: {  	[sflag:s10] =	ssyncset.done $0x0  }
0x10a: {  	[sflag:s10] =	ssyncadd.s32 $0xFFFFFF80  }
0x10b: {  	_ =	swait.ge [sflag:s10], $0x80  }
0x10c: {  	[sflag:s10] =	ssyncset.done $0x0  }
0x10d: {  	[sflag:s10] =	ssyncadd.s32 $0xFFFFFF80  }
0x10e: {  	_ =	swait.ge [sflag:s10], $0x80  }
0x10f: {  	[sflag:s10] =	ssyncset.done $0x0  }
0x110: {  	[sflag:s10] =	ssyncadd.s32 $0xFFFFFF80  }
0x111: {  	_ =	swait.ge [sflag:s10], $0x80  }
0x112: {  	[sflag:s10] =	ssyncset.done $0x0  }
0x113: {  	[sflag:s10] =	ssyncadd.s32 $0xFFFFFF80  }
0x114: {  	_ =	swait.ge [sflag:s10], $0x80  }
0x115: {  	[sflag:s10] =	ssyncset.done $0x0  }
0x116: {  	[sflag:s10] =	ssyncadd.s32 $0xFFFFFF80  }
0x117: {  	_ =	swait.ge [sflag:s10], $0x80  }
0x118: {  	[sflag:s10] =	ssyncset.done $0x0  }
0x119: {  	[sflag:s10] =	ssyncadd.s32 $0xFFFFFF80  }
0x11a: {  	_ =	swait.ge [sflag:s10], $0x80  }
0x11b: {  	[sflag:s10] =	ssyncset.done $0x0  }
0x11c: {  	[sflag:s10] =	ssyncadd.s32 $0xFFFFFF80  }
0x11d: {  	_ =	swait.ge [sflag:s10], $0x80  }
0x11e: {  	[sflag:s10] =	ssyncset.done $0x0  }
0x11f: {  	[sflag:s10] =	ssyncadd.s32 $0xFFFFFF80  }
0x120: {  	_ =	swait.ge [sflag:s10], $0x80  }
0x121: {  	[sflag:s10] =	ssyncset.done $0x0  }
0x122: {  	[sflag:s10] =	ssyncadd.s32 $0xFFFFFF80  }
0x123: {  	_ =	swait.ge [sflag:s10], $0x80  }
0x124: {  	[sflag:s10] =	ssyncset.done $0x0  }
0x125: {  	s11 =	sadd.s32 $0x1, s11;
	[sflag:s10] =	ssyncadd.s32 $0xFFFFFF80  }
0x126: {  	p0 =	sne.s32 s11, s5;
	_ =	swait.ge [sflag:s10], $0x80  }
.Ltmp2:
0x127: {  	[sflag:s10] =	ssyncset.done $0x0;
	(pc) =	sbr.rel @p0 .LBB2_1-.Ltmp2, $4  }
0x128: {  	[sflag:s10] =	ssyncadd.s32 $0xFFFFFF80  }
0x129: {  	_ =	swait.ge [sflag:s10], $0x80  }
0x12a: {  	[sflag:s10] =	ssyncset.done $0x0  }
0x12b: {  	[sflag:s10] =	ssyncadd.s32 $0xFFFFFF80  }
0x12c: {  	_ =	sfence.sel $0x180000  }
0x12d: {  	[bflag:$0x0] =	sbarrier.arrive $0xFFFF  }
0x12e: {  	p0 =	sne.s32 s0, $0x0;
	_ =	strace $0x9000004A  }
0x12f: {  	s0 =	sadd.s32 @!p0 $0x100000, s1;
	[bflag:$0x2] =	sbarrier.arrive $0xFFFF  }
0x130: {  	[sflag:s0] =	ssyncadd.tile.s32 @!p0 $0x1;
	_ =	shalt  }
.Lfunc_end2:
_tile_overlayer_lowered:
.L_overlay_start_2:
0x131: {  	(tag) =	ssettag $0x2  }
0x132: {  	s0 =	rddreg [dreg:$0x0];
	s2 =	stileid.u32  }
0x133: {  	s1 =	rddreg [dreg:$0x1];
	p0 =	sne.s32 s2, $0x0  }
0x134: {  	s3 =	rddreg [dreg:$0x2];
	[bflag:$0x3] =	sbarrier.arrive $0xFFFF;
	s2 =	simm.s32 @!p0 $0x1C02  }
0x135: {  	[timem:s3], [sflag:s2] =	dma.local @!p0 [hbm:s0], s1  }
0x136: {  	s0 =	simm.s32 @!p0 $0x2  }
0x137: {  	_ =	swait.ge @!p0 [sflag:s0], s1  }
0x138: {  	s1 =	ssub.s32 @!p0 $0x0, s1;
	[sflag:s0] =	ssyncset.done @!p0 $0x0  }
0x139: {  	[sflag:s0] =	ssyncadd.s32 @!p0 s1  }
0x13a: {  	[bflag:$0x3] =	sbarrier.arrive $0xFFFF  }
0x13b: {  	_ =	shalt  }

// kernel: sparse-core-data-format-call.cloned.1.call-start
scs
called_computation_lowered:
.L_overlay_start_0:
0x0: {  	s2 =	sld [smem:$0x3FD9]  }
0x1: {  	s3 =	sld [smem:$0x3FFE];
	_ =	sdelay $0x1  }
0x2: {  	s1 =	srdreg.scid  }
0x3: {  	s0 =	sand.u32 $0x1, s1  }
0x4: {  	s18 =	sshll.u32 s0, $0xA;
	s2 =	sadd.s32 s3, s2  }
0x5: {  	s2 =	sadd.s32 s2, s18  }
0x6: {  	[smem:$0x3FC7] =	sst s2  }
0x7: {  	_ = 	snop  }
0x8: {  	s2 =	sld [smem:$0x3FD0];
	(tm) =	ssettm $0x1  }
0x9: {  	s19 =	sld [smem:$0x3FFB];
	_ =	sdelay $0x3  }
0xa: {  	_ =	strace s19  }
0xb: {  	s3 =	sld [smem:$0x3FFC];
	_ =	sdelay $0x3  }
0xc: {  	_ =	strace s3  }
0xd: {  	s3 =	sld [smem:$0x3FFD];
	_ =	sdelay $0x3  }
0xe: {  	_ =	strace s3  }
0xf: {  	_ =	strace $0x8FFFFFFF  }
0x10: {  	s20 =	sld [smem:$0x3FDB];
	_ =	sdelay $0x1  }
0x11: {  	s4 =	simm.s32 $_scs_section_size  }
0x12: {  	s5 =	simm.s32 $_size__tile_overlayer_lowered;
	s6 =	simm.s32 $_tile_overlayer_lowered  }
0x13: {  	s23 =	simm.s32 $0x1BFF;
	s22 =	sshll.u32 s6, $0x1;
	s3 =	sadd.s32 s4, s20  }
0x14: {  	s7 =	simm.s32 $0x0;
	s21 =	sshll.u32 s5, $0x1;
	s5 =	sadd.s32 s22, s3  }
0x15: {  	[timem:s7], [sflag:s23] =	dma.local [hbm:s5], s21  }
0x16: {  	_ =	swait.ge [sflag:s23], s21  }
0x17: {  	s4 =	ssub.s32 $0x0, s21;
	[sflag:s23] =	ssyncset.done $0x0  }
0x18: {  	[sflag:s23] =	ssyncadd.s32 s4;
	_ =	sdelay $0x1  }
0x19: {  	s24 =	simm.s32 $0x1B8B  }
0x1a: {  	_ =	swait.ge [sflag:s24], $0x1  }
0x1b: {  	[sflag:s24] =	ssyncset.done $0x0  }
0x1c: {  	s26 =	simm.s32 $0x1B8E;
	s25 =	sld [smem:$0x3FFE];
	[sflag:s24] =	ssyncadd.s32 $0xFFFFFFFF  }
0x1d: {  	s27 =	simm.s32 $execute0_lowered;
	[smem:$0x3FD2] =	sst s26  }
0x1e: {  	s5 =	sshll.u32 s27, $0x1;
	_ =	strace $0x80000046;
	[dreg:$0x1] =	wrdreg $0xFFFFFFFF  }
0x1f: {  	s28 =	simm.s32 $_size_execute0_lowered;
	s3 =	sadd.s32 s3, s5;
	[dreg:$0x0] =	wrdreg $0x0  }
0x20: {  	s5 =	sshll.u32 s28, $0x1;
	[dreg:$0x2] =	wrdreg s3  }
0x21: {  	[dreg:$0x3] =	wrdreg s5  }
0x22: {  	[dreg:$0x4] =	wrdreg $0xC0  }
0x23: {  	_ =	task [dreg:s7], $0x5FFFF  }
0x24: {  	[dreg:$0x1] =	wrdreg $0xFFFFFFFF  }
0x25: {  	[dreg:$0x0] =	wrdreg $0x60  }
0x26: {  	[dreg:$0x2] =	wrdreg s25  }
0x27: {  	[dreg:$0x3] =	wrdreg s2  }
0x28: {  	[dreg:$0x4] =	wrdreg $0x9  }
0x29: {  	_ =	task.clear_ibuf [dreg:s7], $0x5FFFF;
	_ =	strace $0x90000046  }
0x2a: {  	s29 =	simm.s32 $0x9;
	_ =	strace $0x80000048  }
0x2b: {  	_ =	swait.ge [sflag:s29], $0x1  }
0x2c: {  	[sflag:s29] =	ssyncadd.s32 $0xFFFFFFFF  }
0x2d: {  	_ =	strace $0x90000048  }
0x2e: {  	_ =	sfence  }
0x2f: {  	s30 =	sld [smem:$0x0];
	_ =	sdelay $0x2  }
0x30: {  	s31 =	sshll.u32 s1, $0xD;
	s1 =	sshrl.u32 s1, $0x2  }
0x31: {  	s3 =	sand.u32 $0x4000, s31;
	s1 =	sadd.s32 s1, s30  }
0x32: {  	s0 =	sor.u32 s3, s0;
	s1 =	sshll.u32 s1, $0x11  }
0x33: {  	s0 =	sor.u32 s1, s0  }
0x34: {  	s0 =	sadd.s32 $0x8F2B, s0  }
0x35: {  	[sflag:s0] =	ssyncadd.remote.s32 $0x1  }
0x36: {  	_ =	sfence.sel $0xFFFF  }
0x37: {  	[dreg:$0x0] =	wrdreg $0xFFFFFFFF;
	(pc) =	sbr.abs _section_cstart, $3  }
0x38: {  	[dreg:$0x1] =	wrdreg $0xFFFFFFFF  }
0x39: {  	_ =	task.clear_ibuf [dreg:s7], $0x2FFFF;
	_ =	strace $0x9FFFFFFF  }
0x3a: {  	(tm) =	ssettm $0x7FFFFFFF  }
0x3b: {  	_ =	shalt  }
tec
execute0_lowered:
.L_overlay_start_1:
0x0: {  	(tag) =	ssettag $0x1  }
0x1: {  	s0 =	srdreg.scid  }
0x2: {  	s1 =	sshll.u32 s0, $0x4  }
0x3: {  	s4 =	rddreg [dreg:$0x0];
	s0 =	stileid.u32;
	s1 =	sand.u32 $0x10, s1  }
0x4: {  	s2 =	rddreg [dreg:$0x1];
	s7 =	simm.s32 $0x1;
	s1 =	sor.u32 s0, s1  }
0x5: {  	s8 =	simm.s32 $0x2;
	s9 =	simm.s32 $0x0;
	s3 =	sshll.u32 s1, $0x3  }
0x6: {  	s12 =	simm.s32 $0x0;
	s11 =	simm.s32 $0x0;
	s6 =	ssub.s32 $0x19000, s3  }
.Ltmp0:
0x7: {  	s4 =	sadd.s32 $0xA00, s4;
	s5 =	sand.u32 $0xF8, s6;
	(pc) =	sbr.rel .LBB1_1-.Ltmp0, $4  }
0x8: {  	s1 =	rddreg [dreg:$0x2];
	_ =	strace $0x80000047;
	p0 =	sne.s32 s5, $0x0  }
0x9: {  	s6 =	sshrl.u32 s6, $0x8;
	s5 =	simm.s32 $0x1;
	s7 =	simm.s32 @!p0 $0x0  }
0xa: {  	s10 =	smov.u32 s3;
	[sflag:s5] =	ssyncpa.u1 $0x0;
	s6 =	sadd.s32 s7, s6  }
0xb: {  	[sflag:s8] =	ssyncpa.u1 $0x0;
	s8 =	simm.s32 $0x0;
	s7 =	sadd.s32 $0x1, s6  }
.LBB1_9:
0xc: {  	s14 =	sadd.s32 $0x100, s10  }
0xd: {  	p1 =	sgt.s32 s14, $0x18FFF  }
0xe: {  	s14 =	smov.u32 @p1 s3;
	p1 =	sne.s32 s11, s7  }
.Ltmp1:
0xf: {  	p0 =	slt.u32 s11, $0x2;
	(pc) =	sbr.rel @!p1 .LBB1_10-.Ltmp1, $4  }
0x10: {  	s13 =	simm.s32 @!p0 $0x2  }
0x11: {  	s15 =	sadd.s32 $0x1, s11;
	_ =	swait.ge @!p0 [sflag:s13], $0x4000  }
0x12: {  	s12 =	smov.u32 s10;
	s9 =	sadd.s32 $0x4000, s9;
	[sflag:s13] =	ssyncset.done @!p0 $0x0  }
0x13: {  	s11 =	smov.u32 s15;
	s10 =	smov.u32 s14;
	[sflag:s13] =	ssyncadd.s32 @!p0 $0xFFFFC000  }
.LBB1_1:
0x14: {  	p0 =	sge.u32 s11, s6  }
0x15: {  	s13 =	sxor.u32 @!p0 $0xFFFFFFFF, s11  }
0x16: {  	s31 =	sadd.s32 $0xFFFFFFFF, s11;
	s14 =	sshll.u32 @!p0 s10, $0x8;
	s13 =	sshll.u32 @!p0 s13, $0xE  }
0x17: {  	s15 =	simm.s32 @!p0 $0x0;
	s14 =	sadd.s32 @!p0 s4, s14;
	s13 =	sand.u32 @!p0 $0x4000, s13  }
0x18: {  	[tilespmem:s13], [sflag:$0x1] =	stream.linear.gather @!p0 [hbm4b:s14+s15], $0x4000, $0x38;
	[tilespmem:$0x10000] =	vst v63  }
0x19: {  	p0 =	sge.u32 s31, s6  }
.Ltmp2:
0x1a: {  	_ = 	snop;
	(pc) =	sbr.rel @p0 .LBB1_9-.Ltmp2, $1  }
0x1b: {  	_ =	sdelay $0x3  }
0x1c: {  	s13 =	sshll.u32 s9, $0x2;
	_ =	swait.ge [sflag:s5], $0x4000;
	s14 =	sshll.u32 s11, $0xE  }
0x1d: {  	s16 =	simm.s32 $0x0;
	s17 =	simm.s32 $0x0;
	s15 =	sand.u32 $0x10000, s13  }
0x1e: {  	[sflag:s5] =	ssyncset.done $0x0;
	s31 =	sand.u32 $0x4000, s14;
	s14 =	sshrl.u32 s15, $0x2  }
0x1f: {  	[sflag:s5] =	ssyncadd.s32 $0xFFFFC000;
	s13 =	sor.u32 $0x8000, s31;
	s15 =	sor.u32 $0x8000, s14  }
.LBB1_3:
0x20: {  	s18 =	sshra.s32 s16, $0x2  }
0x21: {  	v0 =	vmov s18;
	_ =	sdelay $0x3  }
0x22: {  	p1 =	por $0x1, $0x1;
	s18 =	simm.s32 $0x0  }
.LBB1_4:
0x23: {  	_ = 	snop  }
0x24: {  	s19 =	sshll.u32 s18, $0xA  }
0x25: {  	s19 =	sand.u32 $0x3FFFFC00, s19  }
0x26: {  	s19 =	sadd.s32 s19, s14  }
0x27: {  	v5 =	vld.idx.msk [tilespmem:v0+s19+$0x70 ss:$0x1], $0xffff  }
0x28: {  	v6 =	vld.idx.msk [tilespmem:v0+s19+$0x10 ss:$0x1], $0xffff  }
0x29: {  	v7 =	vld.idx.msk [tilespmem:v0+s19+$0x20 ss:$0x1], $0xffff  }
0x2a: {  	s31 =	sshll.u32 s18, $0x7;
	v1 =	vld.idx.msk [tilespmem:v0+s19+$0x30 ss:$0x1], $0xffff  }
0x2b: {  	s18 =	sand.u32 $0x3FFFFF80, s31;
	v2 =	vld.idx.msk [tilespmem:v0+s19+$0x40 ss:$0x1], $0xffff  }
0x2c: {  	s18 =	sadd.s32 s18, s15;
	v3 =	vld.idx.msk [tilespmem:v0+s19+$0x50 ss:$0x1], $0xffff  }
0x2d: {  	v4 =	vld.idx.msk [tilespmem:v0+s19+$0x60 ss:$0x1], $0xffff;
	[tilespmem:v0+s18+$0x70 ss:$0x1] =	vst.idx.msk $0xffff, v5  }
0x2e: {  	v5 =	vld.idx.msk [tilespmem:v0+s19+$0x0 ss:$0x1], $0xffff;
	[tilespmem:v0+s18+$0x10 ss:$0x1] =	vst.idx.msk $0xffff, v6;
	s19 =	sadd.s32 $0x80, s19  }
0x2f: {  	p0 =	por p1, p1;
	s20 =	simm.s32 $0x6;
	[tilespmem:v0+s18+$0x20 ss:$0x1] =	vst.idx.msk $0xffff, v7;
	v6 =	vld.idx.msk [tilespmem:v0+s19+$0x70 ss:$0x1], $0xffff  }
.LBB1_5:
0x30: {  	p1 =	sne.s32 s20, $0x1;
	v7 =	vld.idx.msk [tilespmem:v0+s19+$0x10 ss:$0x1], $0xffff;
	[tilespmem:v0+s18+$0x30 ss:$0x1] =	vst.idx.msk $0xffff, v1  }
0x31: {  	v8 =	vld.idx.msk [tilespmem:v0+s19+$0x20 ss:$0x1], $0xffff;
	[tilespmem:v0+s18+$0x40 ss:$0x1] =	vst.idx.msk $0xffff, v2  }
0x32: {  	v1 =	vld.idx.msk [tilespmem:v0+s19+$0x30 ss:$0x1], $0xffff;
	[tilespmem:v0+s18+$0x50 ss:$0x1] =	vst.idx.msk $0xffff, v3  }
.Ltmp3:
0x33: {  	v2 =	vld.idx.msk [tilespmem:v0+s19+$0x40 ss:$0x1], $0xffff;
	[tilespmem:v0+s18+$0x60 ss:$0x1] =	vst.idx.msk $0xffff, v4;
	(pc) =	sbr.rel @p1 .LBB1_5-.Ltmp3, $4  }
0x34: {  	v3 =	vld.idx.msk [tilespmem:v0+s19+$0x50 ss:$0x1], $0xffff;
	[tilespmem:v0+s18+$0x0 ss:$0x1] =	vst.idx.msk $0xffff, v5;
	s18 =	sadd.s32 $0x100, s18  }
0x35: {  	v4 =	vld.idx.msk [tilespmem:v0+s19+$0x60 ss:$0x1], $0xffff;
	[tilespmem:v0+s18+$0x70 ss:$0x1] =	vst.idx.msk $0xffff, v6  }
0x36: {  	v5 =	vld.idx.msk [tilespmem:v0+s19+$0x0 ss:$0x1], $0xffff;
	[tilespmem:v0+s18+$0x10 ss:$0x1] =	vst.idx.msk $0xffff, v7;
	s19 =	sadd.s32 $0x80, s19  }
0x37: {  	s20 =	sadd.s32 $0xFFFFFFFF, s20;
	v6 =	vld.idx.msk [tilespmem:v0+s19+$0x70 ss:$0x1], $0xffff;
	[tilespmem:v0+s18+$0x20 ss:$0x1] =	vst.idx.msk $0xffff, v8  }
0x38: {  	_ =	sdelay $0x3  }
0x39: {  	[tilespmem:v0+s18+$0x30 ss:$0x1] =	vst.idx.msk $0xffff, v1  }
0x3a: {  	v1 =	vld.idx.msk [tilespmem:v0+s19+$0x10 ss:$0x1], $0xffff;
	[tilespmem:v0+s18+$0x40 ss:$0x1] =	vst.idx.msk $0xffff, v2  }
0x3b: {  	v2 =	vld.idx.msk [tilespmem:v0+s19+$0x20 ss:$0x1], $0xffff;
	[tilespmem:v0+s18+$0x50 ss:$0x1] =	vst.idx.msk $0xffff, v3  }
0x3c: {  	v61 =	vld.idx.msk [tilespmem:v0+s19+$0x40 ss:$0x1], $0xffff;
	[tilespmem:v0+s18+$0x60 ss:$0x1] =	vst.idx.msk $0xffff, v4  }
0x3d: {  	s31 =	sadd.s32 $0x100, s18;
	v62 =	vld.idx.msk [tilespmem:v0+s19+$0x50 ss:$0x1], $0xffff;
	[tilespmem:v0+s18+$0x0 ss:$0x1] =	vst.idx.msk $0xffff, v5  }
0x3e: {  	v63 =	vld.idx.msk [tilespmem:v0+s19+$0x60 ss:$0x1], $0xffff;
	[tilespmem:v0+s31+$0x70 ss:$0x1] =	vst.idx.msk $0xffff, v6  }
0x3f: {  	v3 =	vld.idx.msk [tilespmem:v0+s19+$0x30 ss:$0x1], $0xffff;
	[tilespmem:v0+s31+$0x10 ss:$0x1] =	vst.idx.msk $0xffff, v1  }
0x40: {  	v1 =	vld.idx.msk [tilespmem:v0+s19+$0x0 ss:$0x1], $0xffff;
	[tilespmem:v0+s31+$0x20 ss:$0x1] =	vst.idx.msk $0xffff, v2  }
.Ltmp4:
0x41: {  	[tilespmem:v0+s31+$0x40 ss:$0x1] =	vst.idx.msk $0xffff, v61;
	(pc) =	sbr.rel @p0 .LBB1_4-.Ltmp4, $4  }
0x42: {  	[tilespmem:v0+s31+$0x50 ss:$0x1] =	vst.idx.msk $0xffff, v62  }
0x43: {  	[tilespmem:v0+s31+$0x60 ss:$0x1] =	vst.idx.msk $0xffff, v63  }
0x44: {  	[tilespmem:v0+s31+$0x30 ss:$0x1] =	vst.idx.msk $0xffff, v3  }
0x45: {  	p1 =	por $0x0, $0x0;
	s18 =	simm.s32 $0x1;
	[tilespmem:v0+s31+$0x0 ss:$0x1] =	vst.idx.msk $0xffff, v1  }
0x46: {  	s17 =	sadd.s32 $0x1, s17  }
0x47: {  	p0 =	sne.s32 s17, $0x8  }
.Ltmp5:
0x48: {  	_ = 	snop;
	(pc) =	sbr.rel @p0 .LBB1_3-.Ltmp5, $2  }
0x49: {  	_ =	sdelay $0x2  }
0x4a: {  	s16 =	sadd.s32 $0x2000, s16  }
.Ltmp6:
0x4b: {  	(pc) =	sbr.rel .LBB1_9-.Ltmp6, $4  }
0x4c: {  	_ = 	snop  }
0x4d: {  	s12 =	sshll.u32 s12, $0x8  }
0x4e: {  	s12 =	sadd.s32 s2, s12  }
0x4f: {  	[hbm4b:s12+s8] =	stream.linear.scatter [tilespmem:s13], [sflag:$0x2], $0x4000, $0x38;
	[tilespmem:$0x10000] =	vst v63  }
.LBB1_10:
0x50: {  	_ =	sfence.sel $0x180000  }
0x51: {  	s2 =	simm.s32 $0x1;
	[bflag:$0x0] =	sbarrier.arrive $0xFFFF  }
0x52: {  	s31 =	simm.s32 $0x2;
	[sflag:s2] =	ssyncpa.u1 $0x1  }
0x53: {  	[sflag:s31] =	ssyncpa.u1 $0x1  }
0x54: {  	p0 =	sne.s32 s0, $0x0;
	_ =	strace $0x90000047  }
0x55: {  	s0 =	sadd.s32 @!p0 $0x100000, s1;
	[bflag:$0x2] =	sbarrier.arrive $0xFFFF  }
0x56: {  	[sflag:s0] =	ssyncadd.tile.s32 @!p0 $0x1;
	_ =	shalt  }
.Lfunc_end1:
_tile_overlayer_lowered:
.L_overlay_start_2:
0x57: {  	(tag) =	ssettag $0x2  }
0x58: {  	s0 =	rddreg [dreg:$0x0];
	s2 =	stileid.u32  }
0x59: {  	s1 =	rddreg [dreg:$0x1];
	p0 =	sne.s32 s2, $0x0  }
0x5a: {  	s3 =	rddreg [dreg:$0x2];
	[bflag:$0x3] =	sbarrier.arrive $0xFFFF;
	s2 =	simm.s32 @!p0 $0x1C01  }
0x5b: {  	[timem:s3], [sflag:s2] =	dma.local @!p0 [hbm:s0], s1  }
0x5c: {  	s0 =	simm.s32 @!p0 $0x1  }
0x5d: {  	_ =	swait.ge @!p0 [sflag:s0], s1  }
0x5e: {  	s1 =	ssub.s32 @!p0 $0x0, s1;
	[sflag:s0] =	ssyncset.done @!p0 $0x0  }
0x5f: {  	[sflag:s0] =	ssyncadd.s32 @!p0 s1  }
0x60: {  	[bflag:$0x3] =	sbarrier.arrive $0xFFFF  }
0x61: {  	_ =	shalt  }

</sc_bundles>
